<compile_context>
chip_gen: v7x
topology: tpu7x:2x2x1
jax: 0.10.2.dev20260603
libtpu: 0.0.44.dev20260713+nightly
codegen_flags: <defaults>
</compile_context>

<pallas_src>
import functools

import jax
import jax.numpy as jnp
from jax import lax
from jax.experimental import pallas as pl
from jax.experimental.pallas import tpu as pltpu
from jax.experimental.pallas import tpu_sc as plsc

N = 1_000_000
K = 16_384
L = 16
NC, NS = 2, 16
NW = NC * NS
SHARD = 31_256
LAST_BASE = N - SHARD
CHUNKS = K // L


_mesh = plsc.VectorSubcoreMesh(core_axis_name="c", subcore_axis_name="s")


@functools.partial(
    pl.kernel,
    mesh=_mesh,
    out_type=jax.ShapeDtypeStruct((N,), jnp.float32),
    scratch_types=[
        pltpu.VMEM((SHARD,), jnp.float32),
        pltpu.VMEM((K,), jnp.int32),
        pltpu.VMEM((K,), jnp.float32),
        pltpu.VMEM_SHARED((K,), jnp.int32),
        pltpu.VMEM_SHARED((K,), jnp.float32),
        pltpu.SemaphoreType.DMA,
        pltpu.SemaphoreType.DMA,
        pltpu.SemaphoreType.DMA,
    ],
    compiler_params=pltpu.CompilerParams(needs_layout_passes=False),
)
def _scatter_set(in_hbm, idx_hbm, val_hbm, out_hbm, shard_v, idx_v, val_v,
                 idx_sh, val_sh, sem, sem2, sem3):
    cid = lax.axis_index("c")
    sid = lax.axis_index("s")
    wid = sid * NC + cid
    base = jnp.where(wid == NW - 1, LAST_BASE, wid * SHARD)

    shard_cpy = pltpu.async_copy(in_hbm.at[pl.ds(base, SHARD)], shard_v, sem)

    kslice = K // NS
    off = sid * kslice
    sicpy = pltpu.async_copy(idx_hbm.at[pl.ds(off, kslice)],
                             idx_sh.at[pl.ds(off, kslice)], sem2)
    svcpy = pltpu.async_copy(val_hbm.at[pl.ds(off, kslice)],
                             val_sh.at[pl.ds(off, kslice)], sem2)
    sicpy.wait()
    svcpy.wait()
    plsc.subcore_barrier()
    icpy = pltpu.async_copy(idx_sh, idx_v, sem2)
    vcpy = pltpu.async_copy(val_sh, val_v, sem3)
    icpy.wait()
    vcpy.wait()
    shard_cpy.wait()

    U = 16

    def body(g, carry):
        s0 = g * (L * U)
        rels, vvs, ms = [], [], []
        for k in range(U):
            iv = idx_v[pl.ds(s0 + k * L, L)]
            vvs.append(val_v[pl.ds(s0 + k * L, L)])
            rel = iv - base
            rels.append(rel)
            ms.append(plsc.bitcast(rel, jnp.uint32) < jnp.uint32(SHARD))
        lasts = [plsc.scan_count(rels[k], ms[k])[1] for k in range(U)]
        for k in range(U):
            plsc.store_scatter(shard_v, [rels[k]], vvs[k],
                               mask=lasts[k] & ms[k])
        return carry

    lax.fori_loop(0, CHUNKS // U, body, 0, unroll=1)

    pltpu.sync_copy(shard_v, out_hbm.at[pl.ds(base, SHARD)])


def kernel(input, index, value):
    return _scatter_set(input, index.astype(jnp.int32), value)

# --- scband reference (transcript-rebuilt; emitter-appended) ---
"""Pipeline reference for scband-index-put-impl1-dfloat-non-accumulate-module-39444979647258 (READ-ONLY COPY).

The authoritative reference and input builder live on the scoring server;
editing this copy changes nothing except your own understanding.
"""

import jax, jax.numpy as jnp
import numpy as np


def setup_inputs(seed: int = 0) -> dict:
    key = jax.random.key(seed)
    k1, k2, k3 = jax.random.split(key, 3)
    input = jax.random.normal(k1, (1000000,), dtype=jnp.float32)
    index = jax.random.randint(k2, (16384,), 0, 1000000, dtype=jnp.int64)
    value = jax.random.normal(k3, (16384,), dtype=jnp.float32)
    return {"input": input, "index": index, "value": value}


def reference(input, index, value):
    # torch.ops.aten._index_put_impl_(input, (index,), value, accumulate=False)
    # -> scatter-overwrite: input[index] = value
    return input.at[index].set(value)

if __name__ == "__main__":
    import jax
    _d = setup_inputs()
    print(jax.jit(kernel)(*tuple(_d.values())))

</pallas_src>

<mosaic_0001>
#map = affine_map<(d0, d1) -> (0)>
module attributes {stable_mosaic.version = 14 : i64} {
  func.func @_scatter_set(%arg0: i32, %arg1: i32, %arg2: memref<1000000xf32, #tpu.memory_space<hbm>>, %arg3: memref<16384xi32, #tpu.memory_space<hbm>>, %arg4: memref<16384xf32, #tpu.memory_space<hbm>>, %arg5: memref<1000000xf32, #tpu.memory_space<hbm>>, %arg6: memref<31256xf32, #tpu.memory_space<vmem>>, %arg7: memref<16384xi32, #tpu.memory_space<vmem>>, %arg8: memref<16384xf32, #tpu.memory_space<vmem>>, %arg9: memref<16384xi32, #tpu.memory_space<vmem_shared>>, %arg10: memref<16384xf32, #tpu.memory_space<vmem_shared>>, %arg11: memref<!tpu.dma_semaphore, #tpu.memory_space<semaphore_mem>>, %arg12: memref<!tpu.dma_semaphore, #tpu.memory_space<semaphore_mem>>, %arg13: memref<!tpu.dma_semaphore, #tpu.memory_space<semaphore_mem>>) attributes {dimension_semantics = [#tpu.dimension_semantics<core_parallel>, #tpu.dimension_semantics<subcore_parallel>], iteration_bounds = array<i64: 2, 16>, scalar_prefetch = 0 : i64, scratch_operands = 8 : i64, tpu.core_type = #tpu.core_type<sc_vector_subcore>, window_params = [{transform_indices = #map}, {transform_indices = #map}, {transform_indices = #map}, {transform_indices = #map}]} {
    %mul3A = arith.constant 2 : i32
    %mul3A_0 = arith.muli %arg1, %mul3A : i32
    %add3A = arith.addi %mul3A_0, %arg0 : i32
    %eq3A = arith.constant 31 : i32
    %eq3A_1 = arith.cmpi eq, %add3A, %eq3A : i32
    %mul3A_2 = arith.constant 31256 : i32
    %mul3A_3 = arith.muli %add3A, %mul3A_2 : i32
    %jit3A = arith.constant 968744 : i32
    %select_n3A = arith.select %eq3A_1, %jit3A, %mul3A_3 : i32
    %dma_start3A = tpu.memref_slice %arg2[%select_n3A] : memref<1000000xf32, #tpu.memory_space<hbm>> -> memref<31256xf32, #tpu.memory_space<hbm>>
    %dma_start3A_4 = tpu.memref_slice %arg2[%select_n3A] : memref<1000000xf32, #tpu.memory_space<hbm>> -> memref<31256xf32, #tpu.memory_space<hbm>>
    tpu.enqueue_dma source(%dma_start3A_4 : memref<31256xf32, #tpu.memory_space<hbm>>) target(%arg6 : memref<31256xf32, #tpu.memory_space<vmem>>) target_semaphore(%arg11 : memref<!tpu.dma_semaphore, #tpu.memory_space<semaphore_mem>>)
    %mul3A_5 = arith.constant 1024 : i32
    %mul3A_6 = arith.muli %arg1, %mul3A_5 : i32
    %dma_start3A_7 = tpu.memref_slice %arg9[%mul3A_6] : memref<16384xi32, #tpu.memory_space<vmem_shared>> -> memref<1024xi32, #tpu.memory_space<vmem_shared>>
    %dma_start3A_8 = tpu.memref_slice %arg3[%mul3A_6] : memref<16384xi32, #tpu.memory_space<hbm>> -> memref<1024xi32, #tpu.memory_space<hbm>>
    tpu.enqueue_dma source(%dma_start3A_8 : memref<1024xi32, #tpu.memory_space<hbm>>) target(%dma_start3A_7 : memref<1024xi32, #tpu.memory_space<vmem_shared>>) target_semaphore(%arg12 : memref<!tpu.dma_semaphore, #tpu.memory_space<semaphore_mem>>)
    %dma_start3A_9 = tpu.memref_slice %arg10[%mul3A_6] : memref<16384xf32, #tpu.memory_space<vmem_shared>> -> memref<1024xf32, #tpu.memory_space<vmem_shared>>
    %dma_start3A_10 = tpu.memref_slice %arg4[%mul3A_6] : memref<16384xf32, #tpu.memory_space<hbm>> -> memref<1024xf32, #tpu.memory_space<hbm>>
    tpu.enqueue_dma source(%dma_start3A_10 : memref<1024xf32, #tpu.memory_space<hbm>>) target(%dma_start3A_9 : memref<1024xf32, #tpu.memory_space<vmem_shared>>) target_semaphore(%arg12 : memref<!tpu.dma_semaphore, #tpu.memory_space<semaphore_mem>>)
    %dma_wait3A = tpu.memref_slice %arg9[%mul3A_6] : memref<16384xi32, #tpu.memory_space<vmem_shared>> -> memref<1024xi32, #tpu.memory_space<vmem_shared>>
    %dma_wait3A_11 = tpu.memref_slice %arg3[%mul3A_6] : memref<16384xi32, #tpu.memory_space<hbm>> -> memref<1024xi32, #tpu.memory_space<hbm>>
    tpu.wait_dma2 semaphore(%arg12 : memref<!tpu.dma_semaphore, #tpu.memory_space<semaphore_mem>>) src(%dma_wait3A_11 : memref<1024xi32, #tpu.memory_space<hbm>>) dst(%dma_wait3A : memref<1024xi32, #tpu.memory_space<vmem_shared>>)
    %dma_wait3A_12 = tpu.memref_slice %arg10[%mul3A_6] : memref<16384xf32, #tpu.memory_space<vmem_shared>> -> memref<1024xf32, #tpu.memory_space<vmem_shared>>
    %dma_wait3A_13 = tpu.memref_slice %arg4[%mul3A_6] : memref<16384xf32, #tpu.memory_space<hbm>> -> memref<1024xf32, #tpu.memory_space<hbm>>
    tpu.wait_dma2 semaphore(%arg12 : memref<!tpu.dma_semaphore, #tpu.memory_space<semaphore_mem>>) src(%dma_wait3A_13 : memref<1024xf32, #tpu.memory_space<hbm>>) dst(%dma_wait3A_12 : memref<1024xf32, #tpu.memory_space<vmem_shared>>)
    %barrier3A = arith.constant 0 : index
    tpu.barrier barrier_id(%barrier3A)
    tpu.enqueue_dma source(%arg9 : memref<16384xi32, #tpu.memory_space<vmem_shared>>) target(%arg7 : memref<16384xi32, #tpu.memory_space<vmem>>) target_semaphore(%arg12 : memref<!tpu.dma_semaphore, #tpu.memory_space<semaphore_mem>>)
    tpu.enqueue_dma source(%arg10 : memref<16384xf32, #tpu.memory_space<vmem_shared>>) target(%arg8 : memref<16384xf32, #tpu.memory_space<vmem>>) target_semaphore(%arg13 : memref<!tpu.dma_semaphore, #tpu.memory_space<semaphore_mem>>)
    tpu.wait_dma2 semaphore(%arg12 : memref<!tpu.dma_semaphore, #tpu.memory_space<semaphore_mem>>) src(%arg9 : memref<16384xi32, #tpu.memory_space<vmem_shared>>) dst(%arg7 : memref<16384xi32, #tpu.memory_space<vmem>>)
    tpu.wait_dma2 semaphore(%arg13 : memref<!tpu.dma_semaphore, #tpu.memory_space<semaphore_mem>>) src(%arg10 : memref<16384xf32, #tpu.memory_space<vmem_shared>>) dst(%arg8 : memref<16384xf32, #tpu.memory_space<vmem>>)
    %dma_wait3A_14 = tpu.memref_slice %arg2[%select_n3A] : memref<1000000xf32, #tpu.memory_space<hbm>> -> memref<31256xf32, #tpu.memory_space<hbm>>
    %dma_wait3A_15 = tpu.memref_slice %arg2[%select_n3A] : memref<1000000xf32, #tpu.memory_space<hbm>> -> memref<31256xf32, #tpu.memory_space<hbm>>
    tpu.wait_dma2 semaphore(%arg11 : memref<!tpu.dma_semaphore, #tpu.memory_space<semaphore_mem>>) src(%dma_wait3A_15 : memref<31256xf32, #tpu.memory_space<hbm>>) dst(%arg6 : memref<31256xf32, #tpu.memory_space<vmem>>)
    %scan3A = arith.constant 0 : i32
    %scan3A_16 = arith.constant 0 : i32
    %scan3A_17 = arith.constant 64 : i32
    %scan3A_18 = arith.addi %scan3A_16, %scan3A_17 : i32
    %scan3A_19 = arith.constant 1 : i32
    scf.for %scan3A_21 = %scan3A_16 to %scan3A_18 step %scan3A_19  : i32 {
      %mul3A_22 = arith.constant 256 : i32
      %mul3A_23 = arith.muli %scan3A_21, %mul3A_22 : i32
      %add3A_24 = arith.constant 0 : i32
      %add3A_25 = arith.addi %mul3A_23, %add3A_24 : i32
      %get3A = arith.index_cast %add3A_25 : i32 to index
      %get3A_26 = tpu.vector_load %arg7[%get3A] {strides = array<i32>} : memref<16384xi32, #tpu.memory_space<vmem>>, vector<16xi32>,
      %add3A_27 = arith.constant 0 : i32
      %add3A_28 = arith.addi %mul3A_23, %add3A_27 : i32
      %get3A_29 = arith.index_cast %add3A_28 : i32 to index
      %get3A_30 = tpu.vector_load %arg8[%get3A_29] {strides = array<i32>} : memref<16384xf32, #tpu.memory_space<vmem>>, vector<16xf32>,
      %sub3A = vector.broadcast %select_n3A : i32 to vector<16xi32>
      %sub3A_31 = arith.subi %get3A_26, %sub3A : vector<16xi32>
      %bitcast3A = vector.bitcast %sub3A_31 : vector<16xi32> to vector<16xi32>
      %lt3A = arith.constant 31256 : i32
      %lt3A_32 = vector.broadcast %lt3A : i32 to vector<16xi32>
      %lt3A_33 = arith.cmpi ult, %bitcast3A, %lt3A_32 : vector<16xi32>
      %add3A_34 = arith.constant 16 : i32
      %add3A_35 = arith.addi %mul3A_23, %add3A_34 : i32
      %get3A_36 = arith.index_cast %add3A_35 : i32 to index
      %get3A_37 = tpu.vector_load %arg7[%get3A_36] {strides = array<i32>} : memref<16384xi32, #tpu.memory_space<vmem>>, vector<16xi32>,
      %add3A_38 = arith.constant 16 : i32
      %add3A_39 = arith.addi %mul3A_23, %add3A_38 : i32
      %get3A_40 = arith.index_cast %add3A_39 : i32 to index
      %get3A_41 = tpu.vector_load %arg8[%get3A_40] {strides = array<i32>} : memref<16384xf32, #tpu.memory_space<vmem>>, vector<16xf32>,
      %sub3A_42 = vector.broadcast %select_n3A : i32 to vector<16xi32>
      %sub3A_43 = arith.subi %get3A_37, %sub3A_42 : vector<16xi32>
      %bitcast3A_44 = vector.bitcast %sub3A_43 : vector<16xi32> to vector<16xi32>
      %lt3A_45 = arith.constant 31256 : i32
      %lt3A_46 = vector.broadcast %lt3A_45 : i32 to vector<16xi32>
      %lt3A_47 = arith.cmpi ult, %bitcast3A_44, %lt3A_46 : vector<16xi32>
      %add3A_48 = arith.constant 32 : i32
      %add3A_49 = arith.addi %mul3A_23, %add3A_48 : i32
      %get3A_50 = arith.index_cast %add3A_49 : i32 to index
      %get3A_51 = tpu.vector_load %arg7[%get3A_50] {strides = array<i32>} : memref<16384xi32, #tpu.memory_space<vmem>>, vector<16xi32>,
      %add3A_52 = arith.constant 32 : i32
      %add3A_53 = arith.addi %mul3A_23, %add3A_52 : i32
      %get3A_54 = arith.index_cast %add3A_53 : i32 to index
      %get3A_55 = tpu.vector_load %arg8[%get3A_54] {strides = array<i32>} : memref<16384xf32, #tpu.memory_space<vmem>>, vector<16xf32>,
      %sub3A_56 = vector.broadcast %select_n3A : i32 to vector<16xi32>
      %sub3A_57 = arith.subi %get3A_51, %sub3A_56 : vector<16xi32>
      %bitcast3A_58 = vector.bitcast %sub3A_57 : vector<16xi32> to vector<16xi32>
      %lt3A_59 = arith.constant 31256 : i32
      %lt3A_60 = vector.broadcast %lt3A_59 : i32 to vector<16xi32>
      %lt3A_61 = arith.cmpi ult, %bitcast3A_58, %lt3A_60 : vector<16xi32>
      %add3A_62 = arith.constant 48 : i32
      %add3A_63 = arith.addi %mul3A_23, %add3A_62 : i32
      %get3A_64 = arith.index_cast %add3A_63 : i32 to index
      %get3A_65 = tpu.vector_load %arg7[%get3A_64] {strides = array<i32>} : memref<16384xi32, #tpu.memory_space<vmem>>, vector<16xi32>,
      %add3A_66 = arith.constant 48 : i32
      %add3A_67 = arith.addi %mul3A_23, %add3A_66 : i32
      %get3A_68 = arith.index_cast %add3A_67 : i32 to index
      %get3A_69 = tpu.vector_load %arg8[%get3A_68] {strides = array<i32>} : memref<16384xf32, #tpu.memory_space<vmem>>, vector<16xf32>,
      %sub3A_70 = vector.broadcast %select_n3A : i32 to vector<16xi32>
      %sub3A_71 = arith.subi %get3A_65, %sub3A_70 : vector<16xi32>
      %bitcast3A_72 = vector.bitcast %sub3A_71 : vector<16xi32> to vector<16xi32>
      %lt3A_73 = arith.constant 31256 : i32
      %lt3A_74 = vector.broadcast %lt3A_73 : i32 to vector<16xi32>
      %lt3A_75 = arith.cmpi ult, %bitcast3A_72, %lt3A_74 : vector<16xi32>
      %add3A_76 = arith.constant 64 : i32
      %add3A_77 = arith.addi %mul3A_23, %add3A_76 : i32
      %get3A_78 = arith.index_cast %add3A_77 : i32 to index
      %get3A_79 = tpu.vector_load %arg7[%get3A_78] {strides = array<i32>} : memref<16384xi32, #tpu.memory_space<vmem>>, vector<16xi32>,
      %add3A_80 = arith.constant 64 : i32
      %add3A_81 = arith.addi %mul3A_23, %add3A_80 : i32
      %get3A_82 = arith.index_cast %add3A_81 : i32 to index
      %get3A_83 = tpu.vector_load %arg8[%get3A_82] {strides = array<i32>} : memref<16384xf32, #tpu.memory_space<vmem>>, vector<16xf32>,
      %sub3A_84 = vector.broadcast %select_n3A : i32 to vector<16xi32>
      %sub3A_85 = arith.subi %get3A_79, %sub3A_84 : vector<16xi32>
      %bitcast3A_86 = vector.bitcast %sub3A_85 : vector<16xi32> to vector<16xi32>
      %lt3A_87 = arith.constant 31256 : i32
      %lt3A_88 = vector.broadcast %lt3A_87 : i32 to vector<16xi32>
      %lt3A_89 = arith.cmpi ult, %bitcast3A_86, %lt3A_88 : vector<16xi32>
      %add3A_90 = arith.constant 80 : i32
      %add3A_91 = arith.addi %mul3A_23, %add3A_90 : i32
      %get3A_92 = arith.index_cast %add3A_91 : i32 to index
      %get3A_93 = tpu.vector_load %arg7[%get3A_92] {strides = array<i32>} : memref<16384xi32, #tpu.memory_space<vmem>>, vector<16xi32>,
      %add3A_94 = arith.constant 80 : i32
      %add3A_95 = arith.addi %mul3A_23, %add3A_94 : i32
      %get3A_96 = arith.index_cast %add3A_95 : i32 to index
      %get3A_97 = tpu.vector_load %arg8[%get3A_96] {strides = array<i32>} : memref<16384xf32, #tpu.memory_space<vmem>>, vector<16xf32>,
      %sub3A_98 = vector.broadcast %select_n3A : i32 to vector<16xi32>
      %sub3A_99 = arith.subi %get3A_93, %sub3A_98 : vector<16xi32>
      %bitcast3A_100 = vector.bitcast %sub3A_99 : vector<16xi32> to vector<16xi32>
      %lt3A_101 = arith.constant 31256 : i32
      %lt3A_102 = vector.broadcast %lt3A_101 : i32 to vector<16xi32>
      %lt3A_103 = arith.cmpi ult, %bitcast3A_100, %lt3A_102 : vector<16xi32>
      %add3A_104 = arith.constant 96 : i32
      %add3A_105 = arith.addi %mul3A_23, %add3A_104 : i32
      %get3A_106 = arith.index_cast %add3A_105 : i32 to index
      %get3A_107 = tpu.vector_load %arg7[%get3A_106] {strides = array<i32>} : memref<16384xi32, #tpu.memory_space<vmem>>, vector<16xi32>,
      %add3A_108 = arith.constant 96 : i32
      %add3A_109 = arith.addi %mul3A_23, %add3A_108 : i32
      %get3A_110 = arith.index_cast %add3A_109 : i32 to index
      %get3A_111 = tpu.vector_load %arg8[%get3A_110] {strides = array<i32>} : memref<16384xf32, #tpu.memory_space<vmem>>, vector<16xf32>,
      %sub3A_112 = vector.broadcast %select_n3A : i32 to vector<16xi32>
      %sub3A_113 = arith.subi %get3A_107, %sub3A_112 : vector<16xi32>
      %bitcast3A_114 = vector.bitcast %sub3A_113 : vector<16xi32> to vector<16xi32>
      %lt3A_115 = arith.constant 31256 : i32
      %lt3A_116 = vector.broadcast %lt3A_115 : i32 to vector<16xi32>
      %lt3A_117 = arith.cmpi ult, %bitcast3A_114, %lt3A_116 : vector<16xi32>
      %add3A_118 = arith.constant 112 : i32
      %add3A_119 = arith.addi %mul3A_23, %add3A_118 : i32
      %get3A_120 = arith.index_cast %add3A_119 : i32 to index
      %get3A_121 = tpu.vector_load %arg7[%get3A_120] {strides = array<i32>} : memref<16384xi32, #tpu.memory_space<vmem>>, vector<16xi32>,
      %add3A_122 = arith.constant 112 : i32
      %add3A_123 = arith.addi %mul3A_23, %add3A_122 : i32
      %get3A_124 = arith.index_cast %add3A_123 : i32 to index
      %get3A_125 = tpu.vector_load %arg8[%get3A_124] {strides = array<i32>} : memref<16384xf32, #tpu.memory_space<vmem>>, vector<16xf32>,
      %sub3A_126 = vector.broadcast %select_n3A : i32 to vector<16xi32>
      %sub3A_127 = arith.subi %get3A_121, %sub3A_126 : vector<16xi32>
      %bitcast3A_128 = vector.bitcast %sub3A_127 : vector<16xi32> to vector<16xi32>
      %lt3A_129 = arith.constant 31256 : i32
      %lt3A_130 = vector.broadcast %lt3A_129 : i32 to vector<16xi32>
      %lt3A_131 = arith.cmpi ult, %bitcast3A_128, %lt3A_130 : vector<16xi32>
      %add3A_132 = arith.constant 128 : i32
      %add3A_133 = arith.addi %mul3A_23, %add3A_132 : i32
      %get3A_134 = arith.index_cast %add3A_133 : i32 to index
      %get3A_135 = tpu.vector_load %arg7[%get3A_134] {strides = array<i32>} : memref<16384xi32, #tpu.memory_space<vmem>>, vector<16xi32>,
      %add3A_136 = arith.constant 128 : i32
      %add3A_137 = arith.addi %mul3A_23, %add3A_136 : i32
      %get3A_138 = arith.index_cast %add3A_137 : i32 to index
      %get3A_139 = tpu.vector_load %arg8[%get3A_138] {strides = array<i32>} : memref<16384xf32, #tpu.memory_space<vmem>>, vector<16xf32>,
      %sub3A_140 = vector.broadcast %select_n3A : i32 to vector<16xi32>
      %sub3A_141 = arith.subi %get3A_135, %sub3A_140 : vector<16xi32>
      %bitcast3A_142 = vector.bitcast %sub3A_141 : vector<16xi32> to vector<16xi32>
      %lt3A_143 = arith.constant 31256 : i32
      %lt3A_144 = vector.broadcast %lt3A_143 : i32 to vector<16xi32>
      %lt3A_145 = arith.cmpi ult, %bitcast3A_142, %lt3A_144 : vector<16xi32>
      %add3A_146 = arith.constant 144 : i32
      %add3A_147 = arith.addi %mul3A_23, %add3A_146 : i32
      %get3A_148 = arith.index_cast %add3A_147 : i32 to index
      %get3A_149 = tpu.vector_load %arg7[%get3A_148] {strides = array<i32>} : memref<16384xi32, #tpu.memory_space<vmem>>, vector<16xi32>,
      %add3A_150 = arith.constant 144 : i32
      %add3A_151 = arith.addi %mul3A_23, %add3A_150 : i32
      %get3A_152 = arith.index_cast %add3A_151 : i32 to index
      %get3A_153 = tpu.vector_load %arg8[%get3A_152] {strides = array<i32>} : memref<16384xf32, #tpu.memory_space<vmem>>, vector<16xf32>,
      %sub3A_154 = vector.broadcast %select_n3A : i32 to vector<16xi32>
      %sub3A_155 = arith.subi %get3A_149, %sub3A_154 : vector<16xi32>
      %bitcast3A_156 = vector.bitcast %sub3A_155 : vector<16xi32> to vector<16xi32>
      %lt3A_157 = arith.constant 31256 : i32
      %lt3A_158 = vector.broadcast %lt3A_157 : i32 to vector<16xi32>
      %lt3A_159 = arith.cmpi ult, %bitcast3A_156, %lt3A_158 : vector<16xi32>
      %add3A_160 = arith.constant 160 : i32
      %add3A_161 = arith.addi %mul3A_23, %add3A_160 : i32
      %get3A_162 = arith.index_cast %add3A_161 : i32 to index
      %get3A_163 = tpu.vector_load %arg7[%get3A_162] {strides = array<i32>} : memref<16384xi32, #tpu.memory_space<vmem>>, vector<16xi32>,
      %add3A_164 = arith.constant 160 : i32
      %add3A_165 = arith.addi %mul3A_23, %add3A_164 : i32
      %get3A_166 = arith.index_cast %add3A_165 : i32 to index
      %get3A_167 = tpu.vector_load %arg8[%get3A_166] {strides = array<i32>} : memref<16384xf32, #tpu.memory_space<vmem>>, vector<16xf32>,
      %sub3A_168 = vector.broadcast %select_n3A : i32 to vector<16xi32>
      %sub3A_169 = arith.subi %get3A_163, %sub3A_168 : vector<16xi32>
      %bitcast3A_170 = vector.bitcast %sub3A_169 : vector<16xi32> to vector<16xi32>
      %lt3A_171 = arith.constant 31256 : i32
      %lt3A_172 = vector.broadcast %lt3A_171 : i32 to vector<16xi32>
      %lt3A_173 = arith.cmpi ult, %bitcast3A_170, %lt3A_172 : vector<16xi32>
      %add3A_174 = arith.constant 176 : i32
      %add3A_175 = arith.addi %mul3A_23, %add3A_174 : i32
      %get3A_176 = arith.index_cast %add3A_175 : i32 to index
      %get3A_177 = tpu.vector_load %arg7[%get3A_176] {strides = array<i32>} : memref<16384xi32, #tpu.memory_space<vmem>>, vector<16xi32>,
      %add3A_178 = arith.constant 176 : i32
      %add3A_179 = arith.addi %mul3A_23, %add3A_178 : i32
      %get3A_180 = arith.index_cast %add3A_179 : i32 to index
      %get3A_181 = tpu.vector_load %arg8[%get3A_180] {strides = array<i32>} : memref<16384xf32, #tpu.memory_space<vmem>>, vector<16xf32>,
      %sub3A_182 = vector.broadcast %select_n3A : i32 to vector<16xi32>
      %sub3A_183 = arith.subi %get3A_177, %sub3A_182 : vector<16xi32>
      %bitcast3A_184 = vector.bitcast %sub3A_183 : vector<16xi32> to vector<16xi32>
      %lt3A_185 = arith.constant 31256 : i32
      %lt3A_186 = vector.broadcast %lt3A_185 : i32 to vector<16xi32>
      %lt3A_187 = arith.cmpi ult, %bitcast3A_184, %lt3A_186 : vector<16xi32>
      %add3A_188 = arith.constant 192 : i32
      %add3A_189 = arith.addi %mul3A_23, %add3A_188 : i32
      %get3A_190 = arith.index_cast %add3A_189 : i32 to index
      %get3A_191 = tpu.vector_load %arg7[%get3A_190] {strides = array<i32>} : memref<16384xi32, #tpu.memory_space<vmem>>, vector<16xi32>,
      %add3A_192 = arith.constant 192 : i32
      %add3A_193 = arith.addi %mul3A_23, %add3A_192 : i32
      %get3A_194 = arith.index_cast %add3A_193 : i32 to index
      %get3A_195 = tpu.vector_load %arg8[%get3A_194] {strides = array<i32>} : memref<16384xf32, #tpu.memory_space<vmem>>, vector<16xf32>,
      %sub3A_196 = vector.broadcast %select_n3A : i32 to vector<16xi32>
      %sub3A_197 = arith.subi %get3A_191, %sub3A_196 : vector<16xi32>
      %bitcast3A_198 = vector.bitcast %sub3A_197 : vector<16xi32> to vector<16xi32>
      %lt3A_199 = arith.constant 31256 : i32
      %lt3A_200 = vector.broadcast %lt3A_199 : i32 to vector<16xi32>
      %lt3A_201 = arith.cmpi ult, %bitcast3A_198, %lt3A_200 : vector<16xi32>
      %add3A_202 = arith.constant 208 : i32
      %add3A_203 = arith.addi %mul3A_23, %add3A_202 : i32
      %get3A_204 = arith.index_cast %add3A_203 : i32 to index
      %get3A_205 = tpu.vector_load %arg7[%get3A_204] {strides = array<i32>} : memref<16384xi32, #tpu.memory_space<vmem>>, vector<16xi32>,
      %add3A_206 = arith.constant 208 : i32
      %add3A_207 = arith.addi %mul3A_23, %add3A_206 : i32
      %get3A_208 = arith.index_cast %add3A_207 : i32 to index
      %get3A_209 = tpu.vector_load %arg8[%get3A_208] {strides = array<i32>} : memref<16384xf32, #tpu.memory_space<vmem>>, vector<16xf32>,
      %sub3A_210 = vector.broadcast %select_n3A : i32 to vector<16xi32>
      %sub3A_211 = arith.subi %get3A_205, %sub3A_210 : vector<16xi32>
      %bitcast3A_212 = vector.bitcast %sub3A_211 : vector<16xi32> to vector<16xi32>
      %lt3A_213 = arith.constant 31256 : i32
      %lt3A_214 = vector.broadcast %lt3A_213 : i32 to vector<16xi32>
      %lt3A_215 = arith.cmpi ult, %bitcast3A_212, %lt3A_214 : vector<16xi32>
      %add3A_216 = arith.constant 224 : i32
      %add3A_217 = arith.addi %mul3A_23, %add3A_216 : i32
      %get3A_218 = arith.index_cast %add3A_217 : i32 to index
      %get3A_219 = tpu.vector_load %arg7[%get3A_218] {strides = array<i32>} : memref<16384xi32, #tpu.memory_space<vmem>>, vector<16xi32>,
      %add3A_220 = arith.constant 224 : i32
      %add3A_221 = arith.addi %mul3A_23, %add3A_220 : i32
      %get3A_222 = arith.index_cast %add3A_221 : i32 to index
      %get3A_223 = tpu.vector_load %arg8[%get3A_222] {strides = array<i32>} : memref<16384xf32, #tpu.memory_space<vmem>>, vector<16xf32>,
      %sub3A_224 = vector.broadcast %select_n3A : i32 to vector<16xi32>
      %sub3A_225 = arith.subi %get3A_219, %sub3A_224 : vector<16xi32>
      %bitcast3A_226 = vector.bitcast %sub3A_225 : vector<16xi32> to vector<16xi32>
      %lt3A_227 = arith.constant 31256 : i32
      %lt3A_228 = vector.broadcast %lt3A_227 : i32 to vector<16xi32>
      %lt3A_229 = arith.cmpi ult, %bitcast3A_226, %lt3A_228 : vector<16xi32>
      %add3A_230 = arith.constant 240 : i32
      %add3A_231 = arith.addi %mul3A_23, %add3A_230 : i32
      %get3A_232 = arith.index_cast %add3A_231 : i32 to index
      %get3A_233 = tpu.vector_load %arg7[%get3A_232] {strides = array<i32>} : memref<16384xi32, #tpu.memory_space<vmem>>, vector<16xi32>,
      %add3A_234 = arith.constant 240 : i32
      %add3A_235 = arith.addi %mul3A_23, %add3A_234 : i32
      %get3A_236 = arith.index_cast %add3A_235 : i32 to index
      %get3A_237 = tpu.vector_load %arg8[%get3A_236] {strides = array<i32>} : memref<16384xf32, #tpu.memory_space<vmem>>, vector<16xf32>,
      %sub3A_238 = vector.broadcast %select_n3A : i32 to vector<16xi32>
      %sub3A_239 = arith.subi %get3A_233, %sub3A_238 : vector<16xi32>
      %bitcast3A_240 = vector.bitcast %sub3A_239 : vector<16xi32> to vector<16xi32>
      %lt3A_241 = arith.constant 31256 : i32
      %lt3A_242 = vector.broadcast %lt3A_241 : i32 to vector<16xi32>
      %lt3A_243 = arith.cmpi ult, %bitcast3A_240, %lt3A_242 : vector<16xi32>
      %unique3A, %unique3A_244 = tpu.scan_count mask(%lt3A_33 : vector<16xi1>) value(%sub3A_31 : vector<16xi32>) : vector<16xi1>, vector<16xi32>
      %unique3A_245, %unique3A_246 = tpu.scan_count mask(%lt3A_47 : vector<16xi1>) value(%sub3A_43 : vector<16xi32>) : vector<16xi1>, vector<16xi32>
      %unique3A_247, %unique3A_248 = tpu.scan_count mask(%lt3A_61 : vector<16xi1>) value(%sub3A_57 : vector<16xi32>) : vector<16xi1>, vector<16xi32>
      %unique3A_249, %unique3A_250 = tpu.scan_count mask(%lt3A_75 : vector<16xi1>) value(%sub3A_71 : vector<16xi32>) : vector<16xi1>, vector<16xi32>
      %unique3A_251, %unique3A_252 = tpu.scan_count mask(%lt3A_89 : vector<16xi1>) value(%sub3A_85 : vector<16xi32>) : vector<16xi1>, vector<16xi32>
      %unique3A_253, %unique3A_254 = tpu.scan_count mask(%lt3A_103 : vector<16xi1>) value(%sub3A_99 : vector<16xi32>) : vector<16xi1>, vector<16xi32>
      %unique3A_255, %unique3A_256 = tpu.scan_count mask(%lt3A_117 : vector<16xi1>) value(%sub3A_113 : vector<16xi32>) : vector<16xi1>, vector<16xi32>
      %unique3A_257, %unique3A_258 = tpu.scan_count mask(%lt3A_131 : vector<16xi1>) value(%sub3A_127 : vector<16xi32>) : vector<16xi1>, vector<16xi32>
      %unique3A_259, %unique3A_260 = tpu.scan_count mask(%lt3A_145 : vector<16xi1>) value(%sub3A_141 : vector<16xi32>) : vector<16xi1>, vector<16xi32>
      %unique3A_261, %unique3A_262 = tpu.scan_count mask(%lt3A_159 : vector<16xi1>) value(%sub3A_155 : vector<16xi32>) : vector<16xi1>, vector<16xi32>
      %unique3A_263, %unique3A_264 = tpu.scan_count mask(%lt3A_173 : vector<16xi1>) value(%sub3A_169 : vector<16xi32>) : vector<16xi1>, vector<16xi32>
      %unique3A_265, %unique3A_266 = tpu.scan_count mask(%lt3A_187 : vector<16xi1>) value(%sub3A_183 : vector<16xi32>) : vector<16xi1>, vector<16xi32>
      %unique3A_267, %unique3A_268 = tpu.scan_count mask(%lt3A_201 : vector<16xi1>) value(%sub3A_197 : vector<16xi32>) : vector<16xi1>, vector<16xi32>
      %unique3A_269, %unique3A_270 = tpu.scan_count mask(%lt3A_215 : vector<16xi1>) value(%sub3A_211 : vector<16xi32>) : vector<16xi1>, vector<16xi32>
      %unique3A_271, %unique3A_272 = tpu.scan_count mask(%lt3A_229 : vector<16xi1>) value(%sub3A_225 : vector<16xi32>) : vector<16xi1>, vector<16xi32>
      %unique3A_273, %unique3A_274 = tpu.scan_count mask(%lt3A_243 : vector<16xi1>) value(%sub3A_239 : vector<16xi32>) : vector<16xi1>, vector<16xi32>
      %and3A = arith.andi %unique3A, %lt3A_33 : vector<16xi1>
      tpu.vector_store_idx %arg6[%sub3A_31], %get3A_30 masked %and3A : memref<31256xf32, #tpu.memory_space<vmem>>[vector<16xi32>], vector<16xf32>, vector<16xi1>
      %and3A_275 = arith.andi %unique3A_245, %lt3A_47 : vector<16xi1>
      tpu.vector_store_idx %arg6[%sub3A_43], %get3A_41 masked %and3A_275 : memref<31256xf32, #tpu.memory_space<vmem>>[vector<16xi32>], vector<16xf32>, vector<16xi1>
      %and3A_276 = arith.andi %unique3A_247, %lt3A_61 : vector<16xi1>
      tpu.vector_store_idx %arg6[%sub3A_57], %get3A_55 masked %and3A_276 : memref<31256xf32, #tpu.memory_space<vmem>>[vector<16xi32>], vector<16xf32>, vector<16xi1>
      %and3A_277 = arith.andi %unique3A_249, %lt3A_75 : vector<16xi1>
      tpu.vector_store_idx %arg6[%sub3A_71], %get3A_69 masked %and3A_277 : memref<31256xf32, #tpu.memory_space<vmem>>[vector<16xi32>], vector<16xf32>, vector<16xi1>
      %and3A_278 = arith.andi %unique3A_251, %lt3A_89 : vector<16xi1>
      tpu.vector_store_idx %arg6[%sub3A_85], %get3A_83 masked %and3A_278 : memref<31256xf32, #tpu.memory_space<vmem>>[vector<16xi32>], vector<16xf32>, vector<16xi1>
      %and3A_279 = arith.andi %unique3A_253, %lt3A_103 : vector<16xi1>
      tpu.vector_store_idx %arg6[%sub3A_99], %get3A_97 masked %and3A_279 : memref<31256xf32, #tpu.memory_space<vmem>>[vector<16xi32>], vector<16xf32>, vector<16xi1>
      %and3A_280 = arith.andi %unique3A_255, %lt3A_117 : vector<16xi1>
      tpu.vector_store_idx %arg6[%sub3A_113], %get3A_111 masked %and3A_280 : memref<31256xf32, #tpu.memory_space<vmem>>[vector<16xi32>], vector<16xf32>, vector<16xi1>
      %and3A_281 = arith.andi %unique3A_257, %lt3A_131 : vector<16xi1>
      tpu.vector_store_idx %arg6[%sub3A_127], %get3A_125 masked %and3A_281 : memref<31256xf32, #tpu.memory_space<vmem>>[vector<16xi32>], vector<16xf32>, vector<16xi1>
      %and3A_282 = arith.andi %unique3A_259, %lt3A_145 : vector<16xi1>
      tpu.vector_store_idx %arg6[%sub3A_141], %get3A_139 masked %and3A_282 : memref<31256xf32, #tpu.memory_space<vmem>>[vector<16xi32>], vector<16xf32>, vector<16xi1>
      %and3A_283 = arith.andi %unique3A_261, %lt3A_159 : vector<16xi1>
      tpu.vector_store_idx %arg6[%sub3A_155], %get3A_153 masked %and3A_283 : memref<31256xf32, #tpu.memory_space<vmem>>[vector<16xi32>], vector<16xf32>, vector<16xi1>
      %and3A_284 = arith.andi %unique3A_263, %lt3A_173 : vector<16xi1>
      tpu.vector_store_idx %arg6[%sub3A_169], %get3A_167 masked %and3A_284 : memref<31256xf32, #tpu.memory_space<vmem>>[vector<16xi32>], vector<16xf32>, vector<16xi1>
      %and3A_285 = arith.andi %unique3A_265, %lt3A_187 : vector<16xi1>
      tpu.vector_store_idx %arg6[%sub3A_183], %get3A_181 masked %and3A_285 : memref<31256xf32, #tpu.memory_space<vmem>>[vector<16xi32>], vector<16xf32>, vector<16xi1>
      %and3A_286 = arith.andi %unique3A_267, %lt3A_201 : vector<16xi1>
      tpu.vector_store_idx %arg6[%sub3A_197], %get3A_195 masked %and3A_286 : memref<31256xf32, #tpu.memory_space<vmem>>[vector<16xi32>], vector<16xf32>, vector<16xi1>
      %and3A_287 = arith.andi %unique3A_269, %lt3A_215 : vector<16xi1>
      tpu.vector_store_idx %arg6[%sub3A_211], %get3A_209 masked %and3A_287 : memref<31256xf32, #tpu.memory_space<vmem>>[vector<16xi32>], vector<16xf32>, vector<16xi1>
      %and3A_288 = arith.andi %unique3A_271, %lt3A_229 : vector<16xi1>
      tpu.vector_store_idx %arg6[%sub3A_225], %get3A_223 masked %and3A_288 : memref<31256xf32, #tpu.memory_space<vmem>>[vector<16xi32>], vector<16xf32>, vector<16xi1>
      %and3A_289 = arith.andi %unique3A_273, %lt3A_243 : vector<16xi1>
      tpu.vector_store_idx %arg6[%sub3A_239], %get3A_237 masked %and3A_289 : memref<31256xf32, #tpu.memory_space<vmem>>[vector<16xi32>], vector<16xf32>, vector<16xi1>
    }
    %scan3A_20 = arith.constant 64 : i32
    "tpu.region"() ({
      %run_scoped3A = tpu.sem_alloc : memref<!tpu.dma_semaphore, #tpu.memory_space<semaphore_mem>>
      %dma_start3A_21 = tpu.memref_slice %arg5[%select_n3A] : memref<1000000xf32, #tpu.memory_space<hbm>> -> memref<31256xf32, #tpu.memory_space<hbm>>
      %dma_start3A_22 = tpu.memref_slice %arg5[%select_n3A] : memref<1000000xf32, #tpu.memory_space<hbm>> -> memref<31256xf32, #tpu.memory_space<hbm>>
      tpu.enqueue_dma source(%arg6 : memref<31256xf32, #tpu.memory_space<vmem>>) target(%dma_start3A_22 : memref<31256xf32, #tpu.memory_space<hbm>>) target_semaphore(%run_scoped3A : memref<!tpu.dma_semaphore, #tpu.memory_space<semaphore_mem>>)
      %dma_wait3A_23 = tpu.memref_slice %arg5[%select_n3A] : memref<1000000xf32, #tpu.memory_space<hbm>> -> memref<31256xf32, #tpu.memory_space<hbm>>
      %dma_wait3A_24 = tpu.memref_slice %arg5[%select_n3A] : memref<1000000xf32, #tpu.memory_space<hbm>> -> memref<31256xf32, #tpu.memory_space<hbm>>
      tpu.wait_dma2 semaphore(%run_scoped3A : memref<!tpu.dma_semaphore, #tpu.memory_space<semaphore_mem>>) src(%arg6 : memref<31256xf32, #tpu.memory_space<vmem>>) dst(%dma_wait3A_24 : memref<31256xf32, #tpu.memory_space<hbm>>)
      tpu.yield
    }) : () -> ()
    return
  }
}

</mosaic_0001>

<sc_bundles>
// kernel: kernel.3.cloned.1.call-start
scs
__scs_entry_jumppad:
0x0: {  	(pc) =	sbr.rel $0x88, $3  }
0x1: {  	(tag) =	ssettag $0x0;
	lr =	simm.s32 $0x1  }
0x2: {  	[smem:$0x3F9E] =	sst lr;
	_ =	strace $0xD0000000  }
0x3: {  	_ = 	snop  }
0x4: {  	_ = 	snop  }
0x5: {  	_ = 	snop  }
0x6: {  	_ = 	snop  }
0x7: {  	_ = 	snop  }
__scs_overlays_trampoline_lowered:
0x8: {  	[smem:$0x3FAD] =	sst s0  }
0x9: {  	[smem:$0x3FAE] =	sst s1  }
0xa: {  	[smem:$0x3FAF] =	sst s2  }
0xb: {  	[smem:$0x3FB0] =	sst s3  }
0xc: {  	[smem:$0x3FB1] =	sst s4  }
0xd: {  	[smem:$0x3FB2] =	sst s5  }
0xe: {  	[smem:$0x3FB3] =	sst s6  }
0xf: {  	[smem:$0x3FB4] =	sst s7  }
0x10: {  	[smem:$0x3FB5] =	sst s8  }
0x11: {  	[smem:$0x3FB6] =	sst s9;
	s0 =	simm.s32 @!p0 $0x0  }
0x12: {  	s1 =	sld [smem:$0x3F9C];
	s0 =	simm.s32 @p0 $0x1  }
0x13: {  	[smem:$0x3FB7] =	sst s0;
	s0 =	simm.s32 @!p1 $0x0  }
0x14: {  	s2 =	sld [smem:$0x3F9B];
	s0 =	simm.s32 @p1 $0x1  }
0x15: {  	[smem:$0x3FB8] =	sst s0;
	s0 =	simm.s32 @!p2 $0x0  }
0x16: {  	s3 =	sld [smem:$0x3FDB];
	s0 =	simm.s32 @p2 $0x1  }
0x17: {  	s4 =	simm.s32 $0x1BF5;
	[smem:$0x3FBA] =	sst s0  }
0x18: {  	s0 =	sld [smem:$0x3F9D];
	_ =	swait.ge [sflag:s4], $0x0  }
0x19: {  	s7 =	sld [smem:$0x3F9E]  }
0x1a: {  	s8 =	sadd.s32 $0xFFFFE003, lr  }
0x1b: {  	s9 =	sadd.s32 $0xFFFFFEF7, lr;
	s5 =	simm.s32 $0xFFFFFFFF;
	p2 =	slt.u32 s8, $0xFFFFF086  }
0x1c: {  	p1 =	slt.u32 s9, $0xF7A;
	s5 =	simm.s32 @!p2 $0x0  }
0x1d: {  	s5 =	simm.s32 @p1 $0x1;
	p0 =	seq.s32 s7, s2  }
0x1e: {  	s7 =	smul.u32 @!p0 $0xF7A, s2;
	p2 =	seq.s32 @!p0 s5, $0x0  }
0x1f: {  	s9 =	smul.u32 $0xF7A, s1;
	s8 =	simm.s32 @!p0 $0x1BF5;
	p2 =	por !p2, p0  }
0x20: {  	[sflag:s8] =	ssyncset.s32 @!p0 $0xFFFFF086;
	s6 =	sadd.s32 @!p0 s3, s7;
	s7 =	simm.s32 @!p0 $0x108  }
0x21: {  	s3 =	sadd.s32 s3, s9;
	s6 =	sadd.s32 @!p0 $0x88, s6;
	s7 =	simm.s32 @p2 $0x1082  }
0x22: {  	[simem:s7], [sflag:s8] =	dma.local @!p0 [hbm:s6], $0xF7A  }
0x23: {  	s9 =	sor.u32 $0xD0000000, s2;
	s6 =	simm.s32 $0x108;
	_ =	swait.ge @!p0 [sflag:s8], $0x0  }
0x24: {  	s3 =	sadd.s32 $0x88, s3;
	s6 =	simm.s32 @!p1 $0x1082;
	[sflag:s4] =	ssyncset.s32 $0xFFFFF086  }
0x25: {  	[simem:s6], [sflag:s4] =	dma.local [hbm:s3], $0xF7A  }
0x26: {  	[smem:$0x3F9E] =	sst s1;
	(tag) =	ssettag s2;
	_ =	strace s9  }
0x27: {  	s1 =	sld [smem:$0x3FAE]  }
0x28: {  	s2 =	sld [smem:$0x3FAF]  }
0x29: {  	s4 =	sld [smem:$0x3FB1]  }
0x2a: {  	p0 =	seq.s32 s5, $0x0;
	s5 =	sld [smem:$0x3FB2]  }
0x2b: {  	s6 =	sld [smem:$0x3FB3]  }
0x2c: {  	s7 =	sld [smem:$0x3FB4]  }
0x2d: {  	s3 =	simm.s32 $0x108;
	s8 =	sld [smem:$0x3FB5]  }
0x2e: {  	s3 =	simm.s32 @!p0 $0x1082;
	s9 =	sld [smem:$0x3FB6]  }
0x2f: {  	lr =	sadd.s32 s0, s3;
	s0 =	sld [smem:$0x3FAD]  }
0x30: {  	s3 =	sld [smem:$0x3FB0]  }
0x31: {  	[smem:$0x3FB9] =	sst s10  }
0x32: {  	s10 =	sld [smem:$0x3FB7];
	_ =	sdelay $0x3  }
0x33: {  	p0 =	seq.s32 s10, $0x1;
	s10 =	sld [smem:$0x3FB9];
	_ =	sdelay $0x3  }
0x34: {  	[smem:$0x3FB9] =	sst s10  }
0x35: {  	s10 =	sld [smem:$0x3FB8];
	_ =	sdelay $0x3  }
0x36: {  	p1 =	seq.s32 s10, $0x1;
	s10 =	sld [smem:$0x3FB9];
	_ =	sdelay $0x3  }
0x37: {  	[smem:$0x3FB9] =	sst s10  }
0x38: {  	s10 =	sld [smem:$0x3FBA]  }
0x39: {  	_ = 	snop;
	(pc) =	sbr.ind lr, $3  }
0x3a: {  	_ = 	snop  }
0x3b: {  	_ = 	snop  }
0x3c: {  	p2 =	seq.s32 s10, $0x1;
	s10 =	sld [smem:$0x3FB9]  }
0x3d: {  	_ =	shalt  }
0x3e: {  	_ =	shalt  }
0x3f: {  	_ =	shalt  }
0x40: {  	_ =	shalt  }
0x41: {  	_ =	shalt  }
0x42: {  	_ =	shalt  }
0x43: {  	_ =	shalt  }
0x44: {  	_ =	shalt  }
0x45: {  	_ =	shalt  }
0x46: {  	_ =	shalt  }
0x47: {  	_ =	shalt  }
0x48: {  	_ =	shalt  }
0x49: {  	_ =	shalt  }
0x4a: {  	_ =	shalt  }
0x4b: {  	_ =	shalt  }
0x4c: {  	_ =	shalt  }
0x4d: {  	_ =	shalt  }
0x4e: {  	_ =	shalt  }
0x4f: {  	_ =	shalt  }
0x50: {  	_ =	shalt  }
0x51: {  	_ =	shalt  }
0x52: {  	_ =	shalt  }
0x53: {  	_ =	shalt  }
0x54: {  	_ =	shalt  }
0x55: {  	_ =	shalt  }
0x56: {  	_ =	shalt  }
0x57: {  	_ =	shalt  }
0x58: {  	_ =	shalt  }
0x59: {  	_ =	shalt  }
0x5a: {  	_ =	shalt  }
0x5b: {  	_ =	shalt  }
0x5c: {  	_ =	shalt  }
0x5d: {  	_ =	shalt  }
0x5e: {  	_ =	shalt  }
0x5f: {  	_ =	shalt  }
0x60: {  	_ =	shalt  }
0x61: {  	_ =	shalt  }
0x62: {  	_ =	shalt  }
0x63: {  	_ =	shalt  }
0x64: {  	_ =	shalt  }
0x65: {  	_ =	shalt  }
0x66: {  	_ =	shalt  }
0x67: {  	_ =	shalt  }
0x68: {  	_ =	shalt  }
0x69: {  	_ =	shalt  }
0x6a: {  	_ =	shalt  }
0x6b: {  	_ =	shalt  }
0x6c: {  	_ =	shalt  }
0x6d: {  	_ =	shalt  }
0x6e: {  	_ =	shalt  }
0x6f: {  	_ =	shalt  }
0x70: {  	_ =	shalt  }
0x71: {  	_ =	shalt  }
0x72: {  	_ =	shalt  }
0x73: {  	_ =	shalt  }
0x74: {  	_ =	shalt  }
0x75: {  	_ =	shalt  }
0x76: {  	_ =	shalt  }
0x77: {  	_ =	shalt  }
0x78: {  	_ =	shalt  }
0x79: {  	_ =	shalt  }
0x7a: {  	_ =	shalt  }
0x7b: {  	_ =	shalt  }
0x7c: {  	_ =	shalt  }
0x7d: {  	_ =	shalt  }
0x7e: {  	_ =	shalt  }
0x7f: {  	_ =	shalt  }
0x80: {  	_ =	shalt  }
0x81: {  	_ =	shalt  }
0x82: {  	_ =	shalt  }
0x83: {  	_ =	shalt  }
0x84: {  	_ =	shalt  }
0x85: {  	_ =	shalt  }
0x86: {  	_ =	shalt  }
0x87: {  	_ =	shalt  }
.Lfunc_end0:
.L_simem_size_0:
called_computation_lowered:
.L_overlay_start_0:
0x88: {  	s2 =	sld [smem:$0x3FD9]  }
0x89: {  	s3 =	sld [smem:$0x3FFE];
	_ =	sdelay $0x1  }
0x8a: {  	s1 =	srdreg.scid  }
0x8b: {  	s0 =	sand.u32 $0x1, s1  }
0x8c: {  	s18 =	sshll.u32 s0, $0xA;
	s2 =	sadd.s32 s3, s2  }
0x8d: {  	s2 =	sadd.s32 s2, s18  }
0x8e: {  	[smem:$0x3FC5] =	sst s2  }
0x8f: {  	_ = 	snop  }
0x90: {  	s2 =	sld [smem:$0x3FC9]  }
0x91: {  	s19 =	sld [smem:$0x3FC8]  }
0x92: {  	s4 =	sld [smem:$0x3FC7]  }
0x93: {  	s5 =	sld [smem:$0x3FD0];
	(tm) =	ssettm $0x1  }
0x94: {  	s6 =	sld [smem:$0x3FFB];
	_ =	sdelay $0x3  }
0x95: {  	_ =	strace s6  }
0x96: {  	s6 =	sld [smem:$0x3FFC];
	_ =	sdelay $0x3  }
0x97: {  	_ =	strace s6  }
0x98: {  	s6 =	sld [smem:$0x3FFD];
	_ =	sdelay $0x3  }
0x99: {  	_ =	strace s6  }
0x9a: {  	_ =	strace $0x8FFFFFFF  }
0x9b: {  	s20 =	sld [smem:$0x3FDB];
	_ =	sdelay $0x1  }
0x9c: {  	s7 =	simm.s32 $_scs_section_size  }
0x9d: {  	s8 =	simm.s32 $_size__tile_overlayer_lowered;
	s9 =	simm.s32 $_tile_overlayer_lowered  }
0x9e: {  	s23 =	simm.s32 $0x1BFF;
	s22 =	sshll.u32 s9, $0x1;
	s6 =	sadd.s32 s7, s20  }
0x9f: {  	s10 =	simm.s32 $0x0;
	s21 =	sshll.u32 s8, $0x1;
	s8 =	sadd.s32 s22, s6  }
0xa0: {  	[timem:s10], [sflag:s23] =	dma.local [hbm:s8], s21  }
0xa1: {  	_ =	swait.ge [sflag:s23], s21  }
0xa2: {  	s7 =	ssub.s32 $0x0, s21;
	[sflag:s23] =	ssyncset.done $0x0  }
0xa3: {  	[sflag:s23] =	ssyncadd.s32 s7;
	_ =	sdelay $0x1  }
0xa4: {  	s24 =	simm.s32 $0x1B8B  }
0xa5: {  	_ =	swait.ge [sflag:s24], $0x1  }
0xa6: {  	[sflag:s24] =	ssyncset.done $0x0  }
0xa7: {  	s25 =	simm.s32 $0x1B8E;
	[sflag:s24] =	ssyncadd.s32 $0xFFFFFFFF  }
0xa8: {  	s26 =	simm.s32 $execute0_lowered;
	[smem:$0x3FD2] =	sst s25  }
0xa9: {  	s7 =	sshll.u32 s26, $0x1;
	_ =	strace $0x80000046;
	[dreg:$0x1] =	wrdreg $0xFFFFFFFF  }
0xaa: {  	s28 =	simm.s32 $_size_execute0_lowered;
	s6 =	sadd.s32 s6, s7;
	[dreg:$0x0] =	wrdreg $0x0  }
0xab: {  	s7 =	sshll.u32 s28, $0x1;
	[dreg:$0x2] =	wrdreg s6  }
0xac: {  	[dreg:$0x3] =	wrdreg s7  }
0xad: {  	[dreg:$0x4] =	wrdreg $0xC0  }
0xae: {  	_ =	task [dreg:s10], $0x5FFFF  }
0xaf: {  	[dreg:$0x1] =	wrdreg $0xFFFFFFFF  }
0xb0: {  	[dreg:$0x0] =	wrdreg $0x60  }
0xb1: {  	[dreg:$0x2] =	wrdreg s2  }
0xb2: {  	[dreg:$0x3] =	wrdreg s19  }
0xb3: {  	[dreg:$0x4] =	wrdreg s4  }
0xb4: {  	[dreg:$0x5] =	wrdreg s5  }
0xb5: {  	[dreg:$0x6] =	wrdreg $0xFA800  }
0xb6: {  	[dreg:$0x7] =	wrdreg $0xFE800  }
0xb7: {  	[dreg:$0x8] =	wrdreg $0x9  }
0xb8: {  	_ =	task.clear_ibuf [dreg:s10], $0x9FFFF;
	_ =	strace $0x90000046  }
0xb9: {  	s29 =	simm.s32 $0x9;
	_ =	strace $0x80000048  }
0xba: {  	_ =	swait.ge [sflag:s29], $0x1  }
0xbb: {  	[sflag:s29] =	ssyncadd.s32 $0xFFFFFFFF  }
0xbc: {  	_ =	strace $0x90000048  }
0xbd: {  	_ =	sfence  }
0xbe: {  	s30 =	sld [smem:$0x0];
	_ =	sdelay $0x2  }
0xbf: {  	s31 =	sshll.u32 s1, $0xD;
	s1 =	sshrl.u32 s1, $0x2  }
0xc0: {  	s3 =	sand.u32 $0x4000, s31;
	s1 =	sadd.s32 s1, s30  }
0xc1: {  	s0 =	sor.u32 s3, s0;
	s1 =	sshll.u32 s1, $0x11  }
0xc2: {  	s0 =	sor.u32 s1, s0  }
0xc3: {  	s0 =	sadd.s32 $0x8F2B, s0  }
0xc4: {  	[sflag:s0] =	ssyncadd.remote.s32 $0x1  }
0xc5: {  	_ =	sfence.sel $0xFFFF  }
0xc6: {  	[dreg:$0x0] =	wrdreg $0xFFFFFFFF;
	(pc) =	sbr.abs _section_cstart, $3  }
0xc7: {  	[dreg:$0x1] =	wrdreg $0xFFFFFFFF  }
0xc8: {  	_ =	task.clear_ibuf [dreg:s10], $0x2FFFF;
	_ =	strace $0x9FFFFFFF  }
0xc9: {  	(tm) =	ssettm $0x7FFFFFFF  }
tec
execute0_lowered:
.L_overlay_start_1:
0x0: {  	(tag) =	ssettag $0x1  }
0x1: {  	s5 =	rddreg [dreg:$0x0]  }
0x2: {  	s6 =	rddreg [dreg:$0x1]  }
0x3: {  	s8 =	rddreg [dreg:$0x2]  }
0x4: {  	s9 =	rddreg [dreg:$0x3]  }
0x5: {  	s1 =	srdreg.scid;
	s2 =	rddreg [dreg:$0x4]  }
0x6: {  	s0 =	stileid.u32;
	s3 =	rddreg [dreg:$0x5];
	s4 =	simm.s32 $0x0  }
0x7: {  	s15 =	simm.s32 $0xBA80;
	s16 =	simm.s32 $0x3;
	s18 =	simm.s32 $0x4  }
0x8: {  	s19 =	simm.s32 $0x0;
	s7 =	sand.u32 $0x1, s1;
	s1 =	rddreg [dreg:$0x6]  }
0x9: {  	s29 =	sshll.u32 s0, $0x1;
	[smem:$0x7FF] =	sst s4;
	s12 =	sshll.u32 s0, $0xA  }
0xa: {  	s14 =	sshll.u32 s0, $0x7;
	s31 =	sshll.u32 s0, $0x6;
	s10 =	sor.u32 s7, s29  }
0xb: {  	s7 =	ssub.s32 $0x2, s7;
	_ =	strace $0x80000047;
	s13 =	sadd.s32 s12, s2  }
0xc: {  	s6 =	sadd.s32 s6, s14;
	s12 =	sadd.s32 s12, s3;
	s17 =	smul.u32 $0x7A18, s10  }
0xd: {  	s8 =	sadd.s32 s8, s14;
	s14 =	simm.s32 $0x7A80;
	p0 =	seq.s32 s10, $0x1F  }
0xe: {  	s30 =	sshrl.u32 s7, $0x1;
	s12 =	sshrl.u32 s12, $0x3;
	s17 =	simm.s32 @p0 $0xEC828  }
0xf: {  	s10 =	ssub.s32 s7, s30;
	s7 =	sor.u32 $0x1C02, s31;
	s11 =	sshrl.u32 s17, $0x3  }
0x10: {  	s10 =	smax.u32 s10, $0x1;
	v0 =	vmov s17;
	s17 =	simm.s32 $0x1;
	s5 =	sadd.s32 s5, s11  }
0x11: {  	s9 =	sadd.s32 s9, s11;
	s11 =	sshrl.u32 s13, $0x3;
	s13 =	simm.s32 $0x2  }
.LBB2_1:
0x12: {  	[tilespmem:s4], [sflag:$0x1] =	stream.linear.gather [hbm4b:s5+s4], $0x7A18, $0x38;
	[tilespmem:$0x10280] =	vst v63  }
0x13: {  	[spmem:s11], [sflag:s7] =	dma.local [hbm:s6], $0x80  }
0x14: {  	[spmem:s12], [sflag:s7] =	dma.local [hbm:s8], $0x80  }
0x15: {  	_ =	swait.ge [sflag:s13], $0x80  }
0x16: {  	[sflag:s13] =	ssyncset.done $0x0  }
0x17: {  	[sflag:s13] =	ssyncadd.s32 $0xFFFFFF80  }
0x18: {  	_ =	swait.ge [sflag:s13], $0x80  }
0x19: {  	[sflag:s13] =	ssyncset.done $0x0  }
0x1a: {  	[sflag:s13] =	ssyncadd.s32 $0xFFFFFF80  }
0x1b: {  	[bflag:$0x0] =	sbarrier.arrive $0xFFFF  }
0x1c: {  	[tilespmem:s14], [sflag:$0x2] =	stream.linear.gather [spmem:s2], $0x4000, $0x38;
	[tilespmem:$0x10280] =	vst v63  }
0x1d: {  	_ = 	snop  }
0x1e: {  	[tilespmem:s15], [sflag:$0x3] =	stream.linear.gather [spmem:s3], $0x4000, $0x38;
	[tilespmem:$0x10280] =	vst v63  }
0x1f: {  	_ =	swait.ge [sflag:s13], $0x4000  }
0x20: {  	[sflag:s13] =	ssyncset.done $0x0  }
0x21: {  	[sflag:s13] =	ssyncadd.s32 $0xFFFFC000  }
0x22: {  	_ =	swait.ge [sflag:s16], $0x4000  }
0x23: {  	[sflag:s16] =	ssyncset.done $0x0  }
0x24: {  	[sflag:s16] =	ssyncadd.s32 $0xFFFFC000  }
0x25: {  	_ =	swait.ge [sflag:s17], $0x7A18  }
0x26: {  	[sflag:s17] =	ssyncset.done $0x0  }
0x27: {  	s20 =	simm.s32 $0x0;
	[sflag:s17] =	ssyncadd.s32 $0xFFFF85E8  }
0x28: {  	v9 =	vld [tilespmem:s20+$0x7AC0]  }
0x29: {  	v8 =	vld [tilespmem:s20+$0x7AB0]  }
0x2a: {  	v7 =	vld [tilespmem:s20+$0x7AA0]  }
0x2b: {  	v5 =	vld [tilespmem:s20+$0x7A90]  }
0x2c: {  	v6 =	vld [tilespmem:s20+$0x7A80]  }
0x2d: {  	v4 =	vld [tilespmem:s20+$0xBA90]  }
0x2e: {  	v3 =	vld [tilespmem:s20+$0xBAA0]  }
0x2f: {  	v2 =	vld [tilespmem:s20+$0xBAB0]  }
0x30: {  	v10 =	vld [tilespmem:s20+$0x7AD0]  }
0x31: {  	v11 =	vld [tilespmem:s20+$0x7AE0];
	v6 =	vsub.s32 v6, v0  }
0x32: {  	v12 =	vld [tilespmem:s20+$0x7AF0];
	v5 =	vsub.s32 v5, v0;
	vm3 =	vlt.u32 v6, $0x7A18  }
0x33: {  	v13 =	vld [tilespmem:s20+$0x7B00];
	v7 =	vsub.s32 v7, v0;
	vm2 =	vlt.u32 v5, $0x7A18;
	(xrf1) =	vunique.msk.u32 vm3, v6  }
0x34: {  	v1 =	vld [tilespmem:s20+$0xBAC0];
	v8 =	vsub.s32 v8, v0;
	vm4 =	vlt.u32 v7, $0x7A18;
	(xrf1) =	vunique.msk.u32 vm2, v5  }
0x35: {  	v14 =	vld [tilespmem:s20+$0x7B10];
	v9 =	vsub.s32 v9, v0;
	vm5 =	vlt.u32 v8, $0x7A18;
	(xrf1) =	vunique.msk.u32 vm4, v7  }
0x36: {  	v16 =	vimm.s32 $0x0;
	v15 =	vld [tilespmem:s20+$0x7B20];
	v10 =	vsub.s32 v10, v0;
	vm6 =	vlt.u32 v9, $0x7A18;
	(xrf1) =	vunique.msk.u32 vm5, v8  }
0x37: {  	v17 =	vld [tilespmem:s20+$0x7B30];
	v11 =	vsub.s32 v11, v0;
	v12 =	vsub.s32 v12, v0;
	vm0 =	vlt.u32 v10, $0x7A18;
	(xrf1) =	vunique.msk.u32 vm6, v9  }
0x38: {  	v18 =	vld [tilespmem:s20+$0x7B40];
	v13 =	vsub.s32 v13, v0;
	vm1 =	vlt.u32 v11, $0x7A18;
	v16 =	vsel vm0, $0xFFFFFFFF, v16;
	(xrf1) =	vunique.msk.u32 vm0, v10  }
0x39: {  	v21 =	vld [tilespmem:s20+$0x7B50];
	vm7 =	vlt.u32 v12, $0x7A18;
	[tilespmem:$0x1FFE0] =	vst v16;
	v16 =	vimm.s32 $0x0;
	(xrf1) =	vunique.msk.u32 vm1, v11  }
0x3a: {  	v22 =	vld [tilespmem:s20+$0x7B60];
	v14 =	vsub.s32 v14, v0;
	vm8 =	vlt.u32 v13, $0x7A18;
	v16 =	vsel vm1, $0xFFFFFFFF, v16;
	(xrf1) =	vunique.msk.u32 vm7, v12  }
0x3b: {  	v24 =	vld [tilespmem:s20+$0x7B70];
	vm9 =	vlt.u32 v14, $0x7A18;
	[tilespmem:$0x1FFF0] =	vst v16;
	v16 =	vsub.s32 v15, v0;
	(xrf1) =	vunique.msk.u32 vm8, v13  }
0x3c: {  	v20 =	vld [tilespmem:s20+$0xBB50];
	v17 =	vsub.s32 v17, v0;
	vm10 =	vlt.u32 v16, $0x7A18;
	(xrf1) =	vunique.msk.u32 vm9, v14  }
0x3d: {  	v23 =	vld [tilespmem:s20+$0xBB40];
	v19 =	vsub.s32 v18, v0;
	vm11 =	vlt.u32 v17, $0x7A18;
	(xrf1) =	vunique.msk.u32 vm10, v16  }
0x3e: {  	v18 =	vld [tilespmem:s20+$0xBB60];
	v21 =	vsub.s32 v21, v0;
	vm12 =	vlt.u32 v19, $0x7A18;
	(xrf1) =	vunique.msk.u32 vm11, v17  }
0x3f: {  	s21 =	simm.s32 $0x400;
	v22 =	vsub.s32 v22, v0;
	vm13 =	vlt.u32 v21, $0x7A18;
	v15 =	vld [tilespmem:s20+$0xBB70];
	(xrf1) =	vunique.msk.u32 vm12, v19  }
.LBB2_2:
0x40: {  	v25 =	vld [tilespmem:s20+$0xBB30]  }
0x41: {  	v26 =	vld [tilespmem:s20+$0xBB20]  }
0x42: {  	v33 =	vld [tilespmem:$0x1FFE0];
	_, v27, vm0 =	vpop (xrf1)  }
0x43: {  	v27 =	vld [tilespmem:s20+$0xBB10];
	vm0 =	vmand vm3, vm0;
	_, v28, vm3 =	vpop (xrf1)  }
0x44: {  	v28 =	vld [tilespmem:s20+$0xBA80];
	_, v29, vm1 =	vpop (xrf1)  }
0x45: {  	vm3 =	vmand vm2, vm3;
	v29 =	vld [tilespmem:s20+$0xBB00];
	_, v30, vm2 =	vpop (xrf1)  }
0x46: {  	vm1 =	vmand vm4, vm1;
	v30 =	vld [tilespmem:s20+$0xBAF0];
	_, v31, vm4 =	vpop (xrf1)  }
0x47: {  	vm14 =	vlt.u32 v22, $0x7A18;
	(xrf1) =	vunique.msk.u32 vm13, v21;
	v24 =	vsub.s32 v24, v0;
	vm2 =	vmand vm5, vm2;
	v31 =	vld [tilespmem:s20+$0xBAE0];
	_, v32, vm5 =	vpop (xrf1)  }
0x48: {  	(xrf1) =	vunique.msk.u32 vm14, v22;
	vm15 =	vlt.u32 v24, $0x7A18;
	v32 =	vld [tilespmem:s20+$0xBAD0]  }
0x49: {  	(xrf1) =	vunique.msk.u32 vm15, v24;
	[tilespmem:v6+s4+$0x0] =	vst.idx.msk vm0, v28;
	v6 =	vld [tilespmem:$0x1FFF0];
	_ =	sdelay $0x3  }
0x4a: {  	vm4 =	vmand vm6, vm4;
	vm6 =	vnez.u8 v33  }
0x4b: {  	vm5 =	vmand vm6, vm5;
	_, v33, vm6 =	vpop (xrf1);
	vm0 =	vnez.u8 v6  }
0x4c: {  	vm0 =	vmand vm0, vm6;
	_, v6, vm6 =	vpop (xrf1)  }
0x4d: {  	[tilespmem:v5+s4+$0x0] =	vst.idx.msk vm3, v4;
	vm3 =	vmand vm7, vm6;
	_, v4, vm6 =	vpop (xrf1)  }
0x4e: {  	[tilespmem:v7+s4+$0x0] =	vst.idx.msk vm1, v3;
	vm1 =	vmand vm8, vm6;
	_, v3, vm6 =	vpop (xrf1)  }
0x4f: {  	[tilespmem:v8+s4+$0x0] =	vst.idx.msk vm2, v2;
	vm2 =	vmand vm9, vm6;
	_, v2, vm6 =	vpop (xrf1)  }
0x50: {  	[tilespmem:v9+s4+$0x0] =	vst.idx.msk vm4, v1;
	vm4 =	vmand vm10, vm6;
	_, v1, vm6 =	vpop (xrf1)  }
0x51: {  	[tilespmem:v10+s4+$0x0] =	vst.idx.msk vm5, v32;
	vm5 =	vmand vm11, vm6;
	_, v1, vm6 =	vpop (xrf1)  }
0x52: {  	[tilespmem:v11+s4+$0x0] =	vst.idx.msk vm0, v31;
	vm0 =	vmand vm12, vm6;
	_, v1, vm6 =	vpop (xrf1)  }
0x53: {  	[tilespmem:v12+s4+$0x0] =	vst.idx.msk vm3, v30;
	vm3 =	vmand vm13, vm6;
	_, v1, vm6 =	vpop (xrf1)  }
0x54: {  	[tilespmem:v13+s4+$0x0] =	vst.idx.msk vm1, v29;
	vm1 =	vmand vm14, vm6;
	_, v1, vm6 =	vpop (xrf1)  }
0x55: {  	[tilespmem:v14+s4+$0x0] =	vst.idx.msk vm2, v27;
	vm2 =	vmand vm15, vm6  }
0x56: {  	[tilespmem:v16+s4+$0x0] =	vst.idx.msk vm4, v26  }
0x57: {  	[tilespmem:v17+s4+$0x0] =	vst.idx.msk vm5, v25  }
0x58: {  	[tilespmem:v19+s4+$0x0] =	vst.idx.msk vm0, v23  }
0x59: {  	s22 =	smov.u32 s21;
	[tilespmem:v21+s4+$0x0] =	vst.idx.msk vm3, v20  }
0x5a: {  	s22 =	sshra.s32 s22, $0x2;
	[tilespmem:v22+s4+$0x0] =	vst.idx.msk vm1, v18  }
0x5b: {  	s20 =	smov.u32 s22;
	[tilespmem:v24+s4+$0x0] =	vst.idx.msk vm2, v15  }
0x5c: {  	v9 =	vld [tilespmem:s20+$0x7AC0]  }
0x5d: {  	v8 =	vld [tilespmem:s20+$0x7AB0]  }
0x5e: {  	v7 =	vld [tilespmem:s20+$0x7AA0]  }
0x5f: {  	v5 =	vld [tilespmem:s20+$0x7A90]  }
0x60: {  	v6 =	vld [tilespmem:s20+$0x7A80]  }
0x61: {  	v4 =	vld [tilespmem:s20+$0xBA90]  }
0x62: {  	v3 =	vld [tilespmem:s20+$0xBAA0]  }
0x63: {  	v2 =	vld [tilespmem:s20+$0xBAB0]  }
0x64: {  	v10 =	vld [tilespmem:s20+$0x7AD0]  }
0x65: {  	v11 =	vld [tilespmem:s20+$0x7AE0];
	v6 =	vsub.s32 v6, v0  }
0x66: {  	v12 =	vld [tilespmem:s20+$0x7AF0];
	v5 =	vsub.s32 v5, v0;
	vm3 =	vlt.u32 v6, $0x7A18  }
0x67: {  	v13 =	vld [tilespmem:s20+$0x7B00];
	v7 =	vsub.s32 v7, v0;
	vm2 =	vlt.u32 v5, $0x7A18;
	(xrf1) =	vunique.msk.u32 vm3, v6  }
0x68: {  	v1 =	vld [tilespmem:s20+$0xBAC0];
	v8 =	vsub.s32 v8, v0;
	vm4 =	vlt.u32 v7, $0x7A18;
	(xrf1) =	vunique.msk.u32 vm2, v5  }
0x69: {  	v14 =	vld [tilespmem:s20+$0x7B10];
	v9 =	vsub.s32 v9, v0;
	vm5 =	vlt.u32 v8, $0x7A18;
	(xrf1) =	vunique.msk.u32 vm4, v7  }
0x6a: {  	v16 =	vimm.s32 $0x0;
	v15 =	vld [tilespmem:s20+$0x7B20];
	v10 =	vsub.s32 v10, v0;
	vm6 =	vlt.u32 v9, $0x7A18;
	(xrf1) =	vunique.msk.u32 vm5, v8  }
0x6b: {  	v17 =	vld [tilespmem:s20+$0x7B30];
	v11 =	vsub.s32 v11, v0;
	v12 =	vsub.s32 v12, v0;
	vm0 =	vlt.u32 v10, $0x7A18;
	(xrf1) =	vunique.msk.u32 vm6, v9  }
0x6c: {  	v18 =	vld [tilespmem:s20+$0x7B40];
	v13 =	vsub.s32 v13, v0;
	vm1 =	vlt.u32 v11, $0x7A18;
	v16 =	vsel vm0, $0xFFFFFFFF, v16;
	(xrf1) =	vunique.msk.u32 vm0, v10  }
0x6d: {  	v21 =	vld [tilespmem:s20+$0x7B50];
	vm7 =	vlt.u32 v12, $0x7A18;
	[tilespmem:$0x1FFE0] =	vst v16;
	v16 =	vimm.s32 $0x0;
	(xrf1) =	vunique.msk.u32 vm1, v11  }
0x6e: {  	p0 =	sne.s32 s21, $0xFC00;
	v22 =	vld [tilespmem:s20+$0x7B60];
	v14 =	vsub.s32 v14, v0;
	vm8 =	vlt.u32 v13, $0x7A18;
	v16 =	vsel vm1, $0xFFFFFFFF, v16;
	(xrf1) =	vunique.msk.u32 vm7, v12  }
.Ltmp0:
0x6f: {  	v24 =	vld [tilespmem:s20+$0x7B70];
	vm9 =	vlt.u32 v14, $0x7A18;
	[tilespmem:$0x1FFF0] =	vst v16;
	v16 =	vsub.s32 v15, v0;
	(xrf1) =	vunique.msk.u32 vm8, v13;
	(pc) =	sbr.rel @p0 .LBB2_2-.Ltmp0, $4  }
0x70: {  	v20 =	vld [tilespmem:s20+$0xBB50];
	v17 =	vsub.s32 v17, v0;
	vm10 =	vlt.u32 v16, $0x7A18;
	(xrf1) =	vunique.msk.u32 vm9, v14  }
0x71: {  	v23 =	vld [tilespmem:s20+$0xBB40];
	v19 =	vsub.s32 v18, v0;
	vm11 =	vlt.u32 v17, $0x7A18;
	(xrf1) =	vunique.msk.u32 vm10, v16  }
0x72: {  	v18 =	vld [tilespmem:s20+$0xBB60];
	v21 =	vsub.s32 v21, v0;
	vm12 =	vlt.u32 v19, $0x7A18;
	(xrf1) =	vunique.msk.u32 vm11, v17  }
0x73: {  	s21 =	sadd.s32 $0x400, s21;
	v22 =	vsub.s32 v22, v0;
	vm13 =	vlt.u32 v21, $0x7A18;
	v15 =	vld [tilespmem:s20+$0xBB70];
	(xrf1) =	vunique.msk.u32 vm12, v19  }
0x74: {  	_ = 	snop  }
0x75: {  	_, v27, vm0 =	vpop (xrf1)  }
0x76: {  	_, v28, vm1 =	vpop (xrf1)  }
0x77: {  	vm1 =	vmand vm2, vm1;
	_, v29, vm2 =	vpop (xrf1)  }
0x78: {  	v25 =	vld [tilespmem:s20+$0xBB30];
	vm0 =	vmand vm3, vm0;
	_, v30, vm3 =	vpop (xrf1)  }
0x79: {  	v26 =	vld [tilespmem:s20+$0xBB20];
	vm2 =	vmand vm4, vm2;
	_, v31, vm4 =	vpop (xrf1)  }
0x7a: {  	vm14 =	vlt.u32 v22, $0x7A18;
	v24 =	vsub.s32 v24, v0;
	(xrf1) =	vunique.msk.u32 vm13, v21;
	v61 =	vld [tilespmem:$0x1FFF0];
	vm3 =	vmand vm5, vm3;
	_, v32, vm5 =	vpop (xrf1)  }
0x7b: {  	vm15 =	vlt.u32 v24, $0x7A18;
	(xrf1) =	vunique.msk.u32 vm14, v22;
	v32 =	vld [tilespmem:$0x1FFE0]  }
0x7c: {  	(xrf1) =	vunique.msk.u32 vm15, v24;
	v28 =	vld [tilespmem:s20+$0xBA80]  }
0x7d: {  	v60 =	vld [tilespmem:s20+$0xBAD0]  }
0x7e: {  	v27 =	vld [tilespmem:s20+$0xBB10]  }
0x7f: {  	v29 =	vld [tilespmem:s20+$0xBB00]  }
0x80: {  	v30 =	vld [tilespmem:s20+$0xBAF0];
	vm4 =	vmand vm6, vm4;
	vm6 =	vnez.u8 v32  }
0x81: {  	v31 =	vld [tilespmem:s20+$0xBAE0];
	[tilespmem:v6+s4+$0x0] =	vst.idx.msk vm0, v28;
	vm0 =	vnez.u8 v61;
	vm5 =	vmand vm6, vm5;
	_, v33, vm6 =	vpop (xrf1)  }
0x82: {  	vm0 =	vmand vm0, vm6;
	_, v62, vm6 =	vpop (xrf1)  }
0x83: {  	[tilespmem:v5+s4+$0x0] =	vst.idx.msk vm1, v4;
	vm1 =	vmand vm7, vm6;
	_, v63, vm6 =	vpop (xrf1)  }
0x84: {  	[tilespmem:v7+s4+$0x0] =	vst.idx.msk vm2, v3;
	vm2 =	vmand vm8, vm6;
	_, v3, vm6 =	vpop (xrf1)  }
0x85: {  	[tilespmem:v8+s4+$0x0] =	vst.idx.msk vm3, v2;
	vm3 =	vmand vm9, vm6;
	_, v2, vm9 =	vpop (xrf1)  }
0x86: {  	[tilespmem:v9+s4+$0x0] =	vst.idx.msk vm4, v1;
	vm4 =	vmand vm10, vm9;
	_, v1, vm10 =	vpop (xrf1)  }
0x87: {  	[tilespmem:v10+s4+$0x0] =	vst.idx.msk vm5, v60;
	vm5 =	vmand vm11, vm10;
	_, v1, vm11 =	vpop (xrf1)  }
0x88: {  	[tilespmem:v11+s4+$0x0] =	vst.idx.msk vm0, v31;
	vm9 =	vmand vm12, vm11;
	_, v1, vm10 =	vpop (xrf1)  }
0x89: {  	[tilespmem:v12+s4+$0x0] =	vst.idx.msk vm1, v30;
	vm11 =	vmand vm13, vm10;
	_, v1, vm12 =	vpop (xrf1)  }
0x8a: {  	[tilespmem:v13+s4+$0x0] =	vst.idx.msk vm2, v29;
	vm13 =	vmand vm14, vm12;
	_, v1, vm14 =	vpop (xrf1)  }
0x8b: {  	[tilespmem:v14+s4+$0x0] =	vst.idx.msk vm3, v27;
	vm15 =	vmand vm15, vm14  }
0x8c: {  	[tilespmem:v16+s4+$0x0] =	vst.idx.msk vm4, v26  }
0x8d: {  	[tilespmem:v17+s4+$0x0] =	vst.idx.msk vm5, v25  }
0x8e: {  	[tilespmem:v19+s4+$0x0] =	vst.idx.msk vm9, v23  }
0x8f: {  	s19 =	sadd.s32 $0x1, s19;
	[tilespmem:v21+s4+$0x0] =	vst.idx.msk vm11, v20  }
0x90: {  	p0 =	sne.s32 s19, s10;
	[tilespmem:v22+s4+$0x0] =	vst.idx.msk vm13, v18  }
.Ltmp1:
0x91: {  	[tilespmem:v24+s4+$0x0] =	vst.idx.msk vm15, v15;
	(pc) =	sbr.rel @p0 .LBB2_1-.Ltmp1, $4  }
0x92: {  	[hbm4b:s9+s4] =	stream.linear.scatter [tilespmem:s4], [sflag:$0x4], $0x7A18, $0x38;
	[tilespmem:$0x10280] =	vst v63  }
0x93: {  	_ =	swait.ge [sflag:s18], $0x7A18  }
0x94: {  	[sflag:s18] =	ssyncset.done $0x0  }
0x95: {  	[sflag:s18] =	ssyncadd.s32 $0xFFFF85E8  }
0x96: {  	_ =	sfence.sel $0x180000  }
0x97: {  	[bflag:$0x0] =	sbarrier.arrive $0xFFFF  }
0x98: {  	p0 =	sne.s32 s0, $0x0;
	_ =	strace $0x90000047  }
0x99: {  	s0 =	sadd.s32 @!p0 $0x100000, s1;
	[bflag:$0x2] =	sbarrier.arrive $0xFFFF  }
0x9a: {  	[sflag:s0] =	ssyncadd.tile.s32 @!p0 $0x1;
	_ =	shalt  }
.Lfunc_end2:
_tile_overlayer_lowered:
.L_overlay_start_2:
0x9b: {  	(tag) =	ssettag $0x2  }
0x9c: {  	s0 =	rddreg [dreg:$0x0];
	s2 =	stileid.u32  }
0x9d: {  	s1 =	rddreg [dreg:$0x1];
	p0 =	sne.s32 s2, $0x0  }
0x9e: {  	s3 =	rddreg [dreg:$0x2];
	[bflag:$0x3] =	sbarrier.arrive $0xFFFF;
	s2 =	simm.s32 @!p0 $0x1C04  }
0x9f: {  	[timem:s3], [sflag:s2] =	dma.local @!p0 [hbm:s0], s1  }
0xa0: {  	s0 =	simm.s32 @!p0 $0x4  }
0xa1: {  	_ =	swait.ge @!p0 [sflag:s0], s1  }
0xa2: {  	s1 =	ssub.s32 @!p0 $0x0, s1;
	[sflag:s0] =	ssyncset.done @!p0 $0x0  }
0xa3: {  	[sflag:s0] =	ssyncadd.s32 @!p0 s1  }
0xa4: {  	[bflag:$0x3] =	sbarrier.arrive $0xFFFF  }
0xa5: {  	_ =	shalt  }

</sc_bundles>
